<compile_context>
chip_gen: v7x
topology: tpu7x:2x2x1
jax: 0.10.2.dev20260603
libtpu: 0.0.44.dev20260713+nightly
codegen_flags: <defaults>
</compile_context>

<pallas_src>
import functools

import jax
import jax.numpy as jnp
from jax import lax
from jax.experimental import pallas as pl
from jax.experimental.pallas import tpu as pltpu
from jax.experimental.pallas import tpu_sc as plsc

N = 100000
D = 128
G = 4096
H_OUT = 12

NC = 2
NS = 16
NW = NC * NS
CHUNK = 128
NFULL = N // CHUNK
TAIL = N - NFULL * CHUNK
JMAX = 25
ROWS_PER_SID = G // NS


def _sc_segment_sum(node_feats, idx_t, zrow):
    mesh = plsc.VectorSubcoreMesh(
        core_axis_name="c", subcore_axis_name="s", num_cores=NC, num_subcores=NS
    )

    @functools.partial(
        pl.kernel,
        out_type=jax.ShapeDtypeStruct((NC, G, D), jnp.float32),
        mesh=mesh,
        scratch_types=[
            pltpu.VMEM((JMAX, CHUNK), jnp.int32),
            pltpu.VMEM((4, CHUNK, D), jnp.float32),
            pltpu.VMEM((CHUNK, D), jnp.float32),
            pltpu.VMEM_SHARED((G, D), jnp.float32),
            pltpu.SemaphoreType.DMA((4,)),
            pltpu.SemaphoreType.DMA,
        ],
    )
    def seg_sum(node_hbm, idx_hbm, zrow_hbm, out_hbm, ids_buf, rbuf, zbuf, acc,
                sem, sem_s):
        cid = lax.axis_index("c")
        sid = lax.axis_index("s")
        wid = cid * NS + sid

        pltpu.sync_copy(idx_hbm.at[wid], ids_buf)
        pltpu.sync_copy(zrow_hbm, zbuf)

        base = sid * ROWS_PER_SID
        pltpu.sync_copy(zbuf, acc.at[pl.ds(base, CHUNK)])
        pltpu.sync_copy(zbuf, acc.at[pl.ds(base + CHUNK, CHUNK)])
        plsc.subcore_barrier()

        nfull = jnp.where(wid <= 12, JMAX, JMAX - 1)

        for p in range(2):
            pltpu.async_copy(
                node_hbm.at[pl.ds((wid + NW * p) * CHUNK, CHUNK)],
                rbuf.at[p], sem.at[p],
            )

        def body(j, carry):
            b = lax.rem(j, 4)

            @pl.when(j >= 2)
            def _():
                pltpu.make_async_copy(
                    rbuf.at[0], acc.at[ids_buf.at[0]], sem_s
                ).wait()

            @pl.when(j + 2 < nfull)
            def _():
                c2 = wid + NW * (j + 2)
                b2 = lax.rem(j + 2, 4)
                pltpu.async_copy(
                    node_hbm.at[pl.ds(c2 * CHUNK, CHUNK)], rbuf.at[b2], sem.at[b2]
                )

            pltpu.make_async_copy(
                node_hbm.at[pl.ds(0, CHUNK)], rbuf.at[b], sem.at[b]
            ).wait()
            pltpu.async_copy(rbuf.at[b], acc.at[ids_buf.at[j]], sem_s, priority=1, add=True)
            return carry

        lax.fori_loop(0, nfull, body, 0)

        for _ in range(2):
            pltpu.make_async_copy(rbuf.at[0], acc.at[ids_buf.at[0]], sem_s).wait()

        @pl.when(wid == 13)
        def _():
            pltpu.sync_copy(
                node_hbm.at[pl.ds(NFULL * CHUNK, TAIL)], zbuf.at[pl.ds(0, TAIL)]
            )
            pltpu.sync_copy(zbuf, acc.at[ids_buf.at[JMAX - 1]], add=True)

        plsc.subcore_barrier()

        pltpu.sync_copy(
            acc.at[pl.ds(base, ROWS_PER_SID)],
            out_hbm.at[cid, pl.ds(base, ROWS_PER_SID)],
        )

    return seg_sum(node_feats, idx_t, zrow)


def _tc_body(p_ref, g_ref, b_ref, w1_ref, b1_ref, w2_ref, b2_ref, o_ref):
    x = p_ref[0] + p_ref[1]
    mean = jnp.mean(x, axis=0, keepdims=True)
    xc = x - mean
    var = jnp.mean(xc * xc, axis=0, keepdims=True)
    gn = xc * lax.rsqrt(var + 1e-5) * g_ref[...] + b_ref[...]
    h = jnp.dot(gn, w1_ref[...], preferred_element_type=jnp.float32) + b1_ref[...]
    h = jnp.maximum(h, 0.0)
    o_ref[...] = jnp.dot(h, w2_ref[...], preferred_element_type=jnp.float32) + b2_ref[...]


def _tc_bn_mlp(partials, gamma, beta, W1, b1, W2p, b2p):
    return pl.pallas_call(
        _tc_body,
        out_shape=jax.ShapeDtypeStruct((G, D), jnp.float32),
    )(partials, gamma, beta, W1, b1, W2p, b2p)


def kernel(node_feats, segment_ids, gamma, beta, W1, b1, W2, b2):
    ids32 = segment_ids.astype(jnp.int32)
    ids_pad = jnp.zeros((NW * JMAX * CHUNK,), jnp.int32).at[:N].set(ids32)
    idx_t = ids_pad.reshape(JMAX, NW, CHUNK).transpose(1, 0, 2)
    zrow = jnp.zeros((CHUNK, D), jnp.float32)

    partials = _sc_segment_sum(node_feats, idx_t, zrow)

    W2p = jnp.zeros((D, D), jnp.float32).at[:, :H_OUT].set(W2)
    b2p = jnp.zeros((1, D), jnp.float32).at[0, :H_OUT].set(b2)
    out = _tc_bn_mlp(
        partials,
        gamma.reshape(1, D),
        beta.reshape(1, D),
        W1,
        b1.reshape(1, D),
        W2p,
        b2p,
    )
    return out[:, :H_OUT]

# --- scband reference (transcript-rebuilt; emitter-appended) ---
"""Pipeline reference for scband-cls-output-module-18227841204698 (READ-ONLY COPY).

The authoritative reference and input builder live on the scoring server;
editing this copy changes nothing except your own understanding.
"""

import jax, jax.numpy as jnp
import numpy as np

N = 100000
D = 128
G = 4096
H_OUT = 12

def setup_inputs(seed: int = 0) -> dict:
    key = jax.random.key(seed)
    k1, k2, k3, k4 = jax.random.split(key, 4)
    node_feats = jax.random.normal(k1, (N, D), dtype=jnp.float32)
    segment_ids = jnp.sort(jax.random.randint(k2, (N,), 0, G, dtype=jnp.int64))
    # BatchNorm1d affine params
    gamma = jnp.ones((D,), dtype=jnp.float32)
    beta = jnp.zeros((D,), dtype=jnp.float32)
    # MLP params: in_project (D->D), out_project (D->H_OUT)
    W1 = jax.random.normal(k3, (D, D), dtype=jnp.float32) / np.sqrt(D)
    b1 = jnp.zeros((D,), dtype=jnp.float32)
    W2 = jax.random.normal(k4, (D, H_OUT), dtype=jnp.float32) / np.sqrt(D)
    b2 = jnp.zeros((H_OUT,), dtype=jnp.float32)
    return {"node_feats": node_feats, "segment_ids": segment_ids,
            "gamma": gamma, "beta": beta, "W1": W1, "b1": b1, "W2": W2, "b2": b2}

def reference(node_feats, segment_ids, gamma, beta, W1, b1, W2, b2):
    # dgl.sum_nodes: segment-sum node feats into per-graph feats [G, D]
    graph_feats = jax.ops.segment_sum(node_feats, segment_ids, num_segments=G)
    # BatchNorm1d (training mode: batch statistics over G rows)
    mean = jnp.mean(graph_feats, axis=0)
    var = jnp.var(graph_feats, axis=0)
    gn = (graph_feats - mean) / jnp.sqrt(var + 1e-5) * gamma + beta
    # MLP readout: Linear -> relu -> Linear
    h = jnp.maximum(gn @ W1 + b1, 0.0)
    out = h @ W2 + b2
    return out

if __name__ == "__main__":
    import jax
    _d = setup_inputs()
    print(jax.jit(kernel)(*tuple(_d.values())))

</pallas_src>

<mosaic_0001>
#map = affine_map<(d0, d1) -> (0, 0)>
#map1 = affine_map<(d0, d1) -> (0, 0, 0)>
module attributes {stable_mosaic.version = 14 : i64} {
  func.func @seg_sum(%arg0: i32, %arg1: i32, %arg2: memref<100000x128xf32, #tpu.memory_space<hbm>>, %arg3: memref<32x25x128xi32, #tpu.memory_space<hbm>>, %arg4: memref<128x128xf32, #tpu.memory_space<hbm>>, %arg5: memref<2x4096x128xf32, #tpu.memory_space<hbm>>, %arg6: memref<25x128xi32, #tpu.memory_space<vmem>>, %arg7: memref<4x128x128xf32, #tpu.memory_space<vmem>>, %arg8: memref<128x128xf32, #tpu.memory_space<vmem>>, %arg9: memref<4096x128xf32, #tpu.memory_space<vmem_shared>>, %arg10: memref<4x!tpu.dma_semaphore, #tpu.memory_space<semaphore_mem>>, %arg11: memref<!tpu.dma_semaphore, #tpu.memory_space<semaphore_mem>>) attributes {dimension_semantics = [#tpu.dimension_semantics<core_parallel>, #tpu.dimension_semantics<subcore_parallel>], iteration_bounds = array<i64: 2, 16>, scalar_prefetch = 0 : i64, scratch_operands = 6 : i64, tpu.core_type = #tpu.core_type<sc_vector_subcore>, window_params = [{transform_indices = #map}, {transform_indices = #map1}, {transform_indices = #map}, {transform_indices = #map1}]} {
    %mul3A = arith.constant 16 : i32
    %mul3A_0 = arith.muli %arg0, %mul3A : i32
    %add3A = arith.addi %mul3A_0, %arg1 : i32
    "tpu.region"() ({
      %run_scoped3A = tpu.sem_alloc : memref<!tpu.dma_semaphore, #tpu.memory_space<semaphore_mem>>
      %dma_start3A_81 = arith.constant 0 : i32
      %dma_start3A_82 = arith.constant 0 : i32
      %dma_start3A_83 = tpu.memref_slice %arg3[%add3A, %dma_start3A_81, %dma_start3A_82] : memref<32x25x128xi32, #tpu.memory_space<hbm>> -> memref<1x25x128xi32, #tpu.memory_space<hbm>>
      %dma_start3A_84 = tpu.memref_squeeze %dma_start3A_83 : memref<1x25x128xi32, #tpu.memory_space<hbm>> -> memref<25x128xi32, #tpu.memory_space<hbm>>
      %dma_start3A_85 = arith.constant 0 : i32
      %dma_start3A_86 = arith.constant 0 : i32
      %dma_start3A_87 = tpu.memref_slice %arg3[%add3A, %dma_start3A_85, %dma_start3A_86] : memref<32x25x128xi32, #tpu.memory_space<hbm>> -> memref<1x25x128xi32, #tpu.memory_space<hbm>>
      %dma_start3A_88 = tpu.memref_squeeze %dma_start3A_87 : memref<1x25x128xi32, #tpu.memory_space<hbm>> -> memref<25x128xi32, #tpu.memory_space<hbm>>
      tpu.enqueue_dma source(%dma_start3A_88 : memref<25x128xi32, #tpu.memory_space<hbm>>) target(%arg6 : memref<25x128xi32, #tpu.memory_space<vmem>>) target_semaphore(%run_scoped3A : memref<!tpu.dma_semaphore, #tpu.memory_space<semaphore_mem>>)
      %dma_wait3A_89 = arith.constant 0 : i32
      %dma_wait3A_90 = arith.constant 0 : i32
      %dma_wait3A_91 = tpu.memref_slice %arg3[%add3A, %dma_wait3A_89, %dma_wait3A_90] : memref<32x25x128xi32, #tpu.memory_space<hbm>> -> memref<1x25x128xi32, #tpu.memory_space<hbm>>
      %dma_wait3A_92 = tpu.memref_squeeze %dma_wait3A_91 : memref<1x25x128xi32, #tpu.memory_space<hbm>> -> memref<25x128xi32, #tpu.memory_space<hbm>>
      %dma_wait3A_93 = arith.constant 0 : i32
      %dma_wait3A_94 = arith.constant 0 : i32
      %dma_wait3A_95 = tpu.memref_slice %arg3[%add3A, %dma_wait3A_93, %dma_wait3A_94] : memref<32x25x128xi32, #tpu.memory_space<hbm>> -> memref<1x25x128xi32, #tpu.memory_space<hbm>>
      %dma_wait3A_96 = tpu.memref_squeeze %dma_wait3A_95 : memref<1x25x128xi32, #tpu.memory_space<hbm>> -> memref<25x128xi32, #tpu.memory_space<hbm>>
      tpu.wait_dma2 semaphore(%run_scoped3A : memref<!tpu.dma_semaphore, #tpu.memory_space<semaphore_mem>>) src(%dma_wait3A_96 : memref<25x128xi32, #tpu.memory_space<hbm>>) dst(%arg6 : memref<25x128xi32, #tpu.memory_space<vmem>>)
      tpu.yield
    }) : () -> ()
    "tpu.region"() ({
      %run_scoped3A = tpu.sem_alloc : memref<!tpu.dma_semaphore, #tpu.memory_space<semaphore_mem>>
      tpu.enqueue_dma source(%arg4 : memref<128x128xf32, #tpu.memory_space<hbm>>) target(%arg8 : memref<128x128xf32, #tpu.memory_space<vmem>>) target_semaphore(%run_scoped3A : memref<!tpu.dma_semaphore, #tpu.memory_space<semaphore_mem>>)
      tpu.wait_dma2 semaphore(%run_scoped3A : memref<!tpu.dma_semaphore, #tpu.memory_space<semaphore_mem>>) src(%arg4 : memref<128x128xf32, #tpu.memory_space<hbm>>) dst(%arg8 : memref<128x128xf32, #tpu.memory_space<vmem>>)
      tpu.yield
    }) : () -> ()
    %mul3A_1 = arith.constant 256 : i32
    %mul3A_2 = arith.muli %arg1, %mul3A_1 : i32
    "tpu.region"() ({
      %run_scoped3A = tpu.sem_alloc : memref<!tpu.dma_semaphore, #tpu.memory_space<semaphore_mem>>
      %dma_start3A_81 = arith.constant 0 : i32
      %dma_start3A_82 = tpu.memref_slice %arg9[%mul3A_2, %dma_start3A_81] : memref<4096x128xf32, #tpu.memory_space<vmem_shared>> -> memref<128x128xf32, #tpu.memory_space<vmem_shared>>
      %dma_start3A_83 = arith.constant 0 : i32
      %dma_start3A_84 = tpu.memref_slice %arg9[%mul3A_2, %dma_start3A_83] : memref<4096x128xf32, #tpu.memory_space<vmem_shared>> -> memref<128x128xf32, #tpu.memory_space<vmem_shared>>
      tpu.enqueue_dma source(%arg8 : memref<128x128xf32, #tpu.memory_space<vmem>>) target(%dma_start3A_84 : memref<128x128xf32, #tpu.memory_space<vmem_shared>>) target_semaphore(%run_scoped3A : memref<!tpu.dma_semaphore, #tpu.memory_space<semaphore_mem>>)
      %dma_wait3A_85 = arith.constant 0 : i32
      %dma_wait3A_86 = tpu.memref_slice %arg9[%mul3A_2, %dma_wait3A_85] : memref<4096x128xf32, #tpu.memory_space<vmem_shared>> -> memref<128x128xf32, #tpu.memory_space<vmem_shared>>
      %dma_wait3A_87 = arith.constant 0 : i32
      %dma_wait3A_88 = tpu.memref_slice %arg9[%mul3A_2, %dma_wait3A_87] : memref<4096x128xf32, #tpu.memory_space<vmem_shared>> -> memref<128x128xf32, #tpu.memory_space<vmem_shared>>
      tpu.wait_dma2 semaphore(%run_scoped3A : memref<!tpu.dma_semaphore, #tpu.memory_space<semaphore_mem>>) src(%arg8 : memref<128x128xf32, #tpu.memory_space<vmem>>) dst(%dma_wait3A_88 : memref<128x128xf32, #tpu.memory_space<vmem_shared>>)
      tpu.yield
    }) : () -> ()
    %add3A_3 = arith.constant 128 : i32
    %add3A_4 = arith.addi %mul3A_2, %add3A_3 : i32
    "tpu.region"() ({
      %run_scoped3A = tpu.sem_alloc : memref<!tpu.dma_semaphore, #tpu.memory_space<semaphore_mem>>
      %dma_start3A_81 = arith.constant 0 : i32
      %dma_start3A_82 = tpu.memref_slice %arg9[%add3A_4, %dma_start3A_81] : memref<4096x128xf32, #tpu.memory_space<vmem_shared>> -> memref<128x128xf32, #tpu.memory_space<vmem_shared>>
      %dma_start3A_83 = arith.constant 0 : i32
      %dma_start3A_84 = tpu.memref_slice %arg9[%add3A_4, %dma_start3A_83] : memref<4096x128xf32, #tpu.memory_space<vmem_shared>> -> memref<128x128xf32, #tpu.memory_space<vmem_shared>>
      tpu.enqueue_dma source(%arg8 : memref<128x128xf32, #tpu.memory_space<vmem>>) target(%dma_start3A_84 : memref<128x128xf32, #tpu.memory_space<vmem_shared>>) target_semaphore(%run_scoped3A : memref<!tpu.dma_semaphore, #tpu.memory_space<semaphore_mem>>)
      %dma_wait3A_85 = arith.constant 0 : i32
      %dma_wait3A_86 = tpu.memref_slice %arg9[%add3A_4, %dma_wait3A_85] : memref<4096x128xf32, #tpu.memory_space<vmem_shared>> -> memref<128x128xf32, #tpu.memory_space<vmem_shared>>
      %dma_wait3A_87 = arith.constant 0 : i32
      %dma_wait3A_88 = tpu.memref_slice %arg9[%add3A_4, %dma_wait3A_87] : memref<4096x128xf32, #tpu.memory_space<vmem_shared>> -> memref<128x128xf32, #tpu.memory_space<vmem_shared>>
      tpu.wait_dma2 semaphore(%run_scoped3A : memref<!tpu.dma_semaphore, #tpu.memory_space<semaphore_mem>>) src(%arg8 : memref<128x128xf32, #tpu.memory_space<vmem>>) dst(%dma_wait3A_88 : memref<128x128xf32, #tpu.memory_space<vmem_shared>>)
      tpu.yield
    }) : () -> ()
    %barrier3A = arith.constant 0 : index
    tpu.barrier barrier_id(%barrier3A)
    %le3A = arith.constant 12 : i32
    %le3A_5 = arith.cmpi sle, %add3A, %le3A : i32
    %jit3A = arith.constant 25 : i32
    %jit3A_6 = arith.constant 24 : i32
    %select_n3A = arith.select %le3A_5, %jit3A, %jit3A_6 : i32
    %add3A_7 = arith.constant 0 : i32
    %add3A_8 = arith.addi %add3A, %add3A_7 : i32
    %mul3A_9 = arith.constant 128 : i32
    %mul3A_10 = arith.muli %add3A_8, %mul3A_9 : i32
    %dma_start3A = arith.constant 0 : i32
    %dma_start3A_11 = arith.constant 0 : i32
    %dma_start3A_12 = arith.constant 0 : i32
    %dma_start3A_13 = arith.constant 0 : i32
    %dma_start3A_14 = tpu.memref_slice %arg7[%dma_start3A, %dma_start3A_12, %dma_start3A_13] : memref<4x128x128xf32, #tpu.memory_space<vmem>> -> memref<1x128x128xf32, #tpu.memory_space<vmem>>
    %dma_start3A_15 = tpu.memref_squeeze %dma_start3A_14 : memref<1x128x128xf32, #tpu.memory_space<vmem>> -> memref<128x128xf32, #tpu.memory_space<vmem>>
    %dma_start3A_16 = arith.constant 0 : i32
    %dma_start3A_17 = tpu.memref_slice %arg2[%mul3A_10, %dma_start3A_16] : memref<100000x128xf32, #tpu.memory_space<hbm>> -> memref<128x128xf32, #tpu.memory_space<hbm>>
    %dma_start3A_18 = tpu.memref_slice %arg10[%dma_start3A_11] : memref<4x!tpu.dma_semaphore, #tpu.memory_space<semaphore_mem>> -> memref<1x!tpu.dma_semaphore, #tpu.memory_space<semaphore_mem>>
    %dma_start3A_19 = tpu.memref_squeeze %dma_start3A_18 : memref<1x!tpu.dma_semaphore, #tpu.memory_space<semaphore_mem>> -> memref<!tpu.dma_semaphore, #tpu.memory_space<semaphore_mem>>
    %dma_start3A_20 = arith.constant 0 : i32
    %dma_start3A_21 = arith.constant 0 : i32
    %dma_start3A_22 = tpu.memref_slice %arg7[%dma_start3A, %dma_start3A_20, %dma_start3A_21] : memref<4x128x128xf32, #tpu.memory_space<vmem>> -> memref<1x128x128xf32, #tpu.memory_space<vmem>>
    %dma_start3A_23 = tpu.memref_squeeze %dma_start3A_22 : memref<1x128x128xf32, #tpu.memory_space<vmem>> -> memref<128x128xf32, #tpu.memory_space<vmem>>
    %dma_start3A_24 = arith.constant 0 : i32
    %dma_start3A_25 = tpu.memref_slice %arg2[%mul3A_10, %dma_start3A_24] : memref<100000x128xf32, #tpu.memory_space<hbm>> -> memref<128x128xf32, #tpu.memory_space<hbm>>
    tpu.enqueue_dma source(%dma_start3A_25 : memref<128x128xf32, #tpu.memory_space<hbm>>) target(%dma_start3A_23 : memref<128x128xf32, #tpu.memory_space<vmem>>) target_semaphore(%dma_start3A_19 : memref<!tpu.dma_semaphore, #tpu.memory_space<semaphore_mem>>)
    %add3A_26 = arith.constant 32 : i32
    %add3A_27 = arith.addi %add3A, %add3A_26 : i32
    %mul3A_28 = arith.constant 128 : i32
    %mul3A_29 = arith.muli %add3A_27, %mul3A_28 : i32
    %dma_start3A_30 = arith.constant 1 : i32
    %dma_start3A_31 = arith.constant 1 : i32
    %dma_start3A_32 = arith.constant 0 : i32
    %dma_start3A_33 = arith.constant 0 : i32
    %dma_start3A_34 = tpu.memref_slice %arg7[%dma_start3A_30, %dma_start3A_32, %dma_start3A_33] : memref<4x128x128xf32, #tpu.memory_space<vmem>> -> memref<1x128x128xf32, #tpu.memory_space<vmem>>
    %dma_start3A_35 = tpu.memref_squeeze %dma_start3A_34 : memref<1x128x128xf32, #tpu.memory_space<vmem>> -> memref<128x128xf32, #tpu.memory_space<vmem>>
    %dma_start3A_36 = arith.constant 0 : i32
    %dma_start3A_37 = tpu.memref_slice %arg2[%mul3A_29, %dma_start3A_36] : memref<100000x128xf32, #tpu.memory_space<hbm>> -> memref<128x128xf32, #tpu.memory_space<hbm>>
    %dma_start3A_38 = tpu.memref_slice %arg10[%dma_start3A_31] : memref<4x!tpu.dma_semaphore, #tpu.memory_space<semaphore_mem>> -> memref<1x!tpu.dma_semaphore, #tpu.memory_space<semaphore_mem>>
    %dma_start3A_39 = tpu.memref_squeeze %dma_start3A_38 : memref<1x!tpu.dma_semaphore, #tpu.memory_space<semaphore_mem>> -> memref<!tpu.dma_semaphore, #tpu.memory_space<semaphore_mem>>
    %dma_start3A_40 = arith.constant 0 : i32
    %dma_start3A_41 = arith.constant 0 : i32
    %dma_start3A_42 = tpu.memref_slice %arg7[%dma_start3A_30, %dma_start3A_40, %dma_start3A_41] : memref<4x128x128xf32, #tpu.memory_space<vmem>> -> memref<1x128x128xf32, #tpu.memory_space<vmem>>
    %dma_start3A_43 = tpu.memref_squeeze %dma_start3A_42 : memref<1x128x128xf32, #tpu.memory_space<vmem>> -> memref<128x128xf32, #tpu.memory_space<vmem>>
    %dma_start3A_44 = arith.constant 0 : i32
    %dma_start3A_45 = tpu.memref_slice %arg2[%mul3A_29, %dma_start3A_44] : memref<100000x128xf32, #tpu.memory_space<hbm>> -> memref<128x128xf32, #tpu.memory_space<hbm>>
    tpu.enqueue_dma source(%dma_start3A_45 : memref<128x128xf32, #tpu.memory_space<hbm>>) target(%dma_start3A_43 : memref<128x128xf32, #tpu.memory_space<vmem>>) target_semaphore(%dma_start3A_39 : memref<!tpu.dma_semaphore, #tpu.memory_space<semaphore_mem>>)
    %while3A = arith.constant 0 : i32
    %while3A_46 = arith.constant 0 : i32
    %while3A_47 = arith.subi %select_n3A, %while3A_46 : i32
    %while3A_48 = arith.addi %while3A_46, %while3A_47 : i32
    %while3A_49 = arith.constant 1 : i32
    %while3A_50 = arith.divsi %while3A_47, %while3A_49 : i32
    %while3A_51 = arith.muli %while3A_50, %while3A_49 : i32
    %while3A_52 = arith.addi %while3A_46, %while3A_51 : i32
    %while3A_53 = arith.constant 1 : i32
    scf.for %while3A_81 = %while3A_46 to %while3A_52 step %while3A_53  : i32 {
      %rem3A = arith.constant 4 : i32
      %rem3A_82 = arith.remsi %while3A_81, %rem3A : i32
      %ge3A = arith.constant 2 : i32
      %ge3A_83 = arith.cmpi sge, %while3A_81, %ge3A : i32
      %convert_element_type3A_84 = arith.extui %ge3A_83 : i1 to i32
      %cond3A_85 = arith.constant 0 : i32
      %cond3A_86 = arith.cmpi ne, %convert_element_type3A_84, %cond3A_85 : i32
      scf.if %cond3A_86 {
        %dma_wait3A_118 = arith.constant 0 : i32
        %dma_wait3A_119 = arith.constant 0 : i32
        %dma_wait3A_120 = arith.constant 0 : i32
        %dma_wait3A_121 = arith.constant 0 : i32
        %dma_wait3A_122 = tpu.memref_slice %arg7[%dma_wait3A_118, %dma_wait3A_120, %dma_wait3A_121] : memref<4x128x128xf32, #tpu.memory_space<vmem>> -> memref<1x128x128xf32, #tpu.memory_space<vmem>>
        %dma_wait3A_123 = tpu.memref_squeeze %dma_wait3A_122 : memref<1x128x128xf32, #tpu.memory_space<vmem>> -> memref<128x128xf32, #tpu.memory_space<vmem>>
        %dma_wait3A_124 = arith.constant 0 : i32
        %dma_wait3A_125 = tpu.memref_slice %arg6[%dma_wait3A_119, %dma_wait3A_124] : memref<25x128xi32, #tpu.memory_space<vmem>> -> memref<1x128xi32, #tpu.memory_space<vmem>>
        %dma_wait3A_126 = tpu.memref_squeeze %dma_wait3A_125 : memref<1x128xi32, #tpu.memory_space<vmem>> -> memref<128xi32, #tpu.memory_space<vmem>>
        %dma_wait3A_127 = arith.constant 0 : i32
        %dma_wait3A_128 = arith.constant 0 : i32
        %dma_wait3A_129 = tpu.memref_slice %arg9[%dma_wait3A_127, %dma_wait3A_128] : memref<4096x128xf32, #tpu.memory_space<vmem_shared>> -> memref<4096x128xf32, #tpu.memory_space<vmem_shared>>
        tpu.wait_indirect_dma semaphore(%arg11 : memref<!tpu.dma_semaphore, #tpu.memory_space<semaphore_mem>>) src(%dma_wait3A_123 : memref<128x128xf32, #tpu.memory_space<vmem>>) dst(%dma_wait3A_129 : memref<4096x128xf32, #tpu.memory_space<vmem_shared>>)
      } else {
      }
      %add3A_87 = arith.constant 2 : i32
      %add3A_88 = arith.addi %while3A_81, %add3A_87 : i32
      %lt3A = arith.cmpi slt, %add3A_88, %select_n3A : i32
      %convert_element_type3A_89 = arith.extui %lt3A : i1 to i32
      %cond3A_90 = arith.constant 0 : i32
      %cond3A_91 = arith.cmpi ne, %convert_element_type3A_89, %cond3A_90 : i32
      scf.if %cond3A_91 {
        %add3A_118 = arith.constant 2 : i32
        %add3A_119 = arith.addi %while3A_81, %add3A_118 : i32
        %mul3A_120 = arith.constant 32 : i32
        %mul3A_121 = arith.muli %mul3A_120, %add3A_119 : i32
        %add3A_122 = arith.addi %add3A, %mul3A_121 : i32
        %add3A_123 = arith.constant 2 : i32
        %add3A_124 = arith.addi %while3A_81, %add3A_123 : i32
        %rem3A_125 = arith.constant 4 : i32
        %rem3A_126 = arith.remsi %add3A_124, %rem3A_125 : i32
        %mul3A_127 = arith.constant 128 : i32
        %mul3A_128 = arith.muli %add3A_122, %mul3A_127 : i32
        %dma_start3A_129 = arith.constant 0 : i32
        %dma_start3A_130 = arith.constant 0 : i32
        %dma_start3A_131 = tpu.memref_slice %arg7[%rem3A_126, %dma_start3A_129, %dma_start3A_130] : memref<4x128x128xf32, #tpu.memory_space<vmem>> -> memref<1x128x128xf32, #tpu.memory_space<vmem>>
        %dma_start3A_132 = tpu.memref_squeeze %dma_start3A_131 : memref<1x128x128xf32, #tpu.memory_space<vmem>> -> memref<128x128xf32, #tpu.memory_space<vmem>>
        %dma_start3A_133 = arith.constant 0 : i32
        %dma_start3A_134 = tpu.memref_slice %arg2[%mul3A_128, %dma_start3A_133] : memref<100000x128xf32, #tpu.memory_space<hbm>> -> memref<128x128xf32, #tpu.memory_space<hbm>>
        %dma_start3A_135 = tpu.memref_slice %arg10[%rem3A_126] : memref<4x!tpu.dma_semaphore, #tpu.memory_space<semaphore_mem>> -> memref<1x!tpu.dma_semaphore, #tpu.memory_space<semaphore_mem>>
        %dma_start3A_136 = tpu.memref_squeeze %dma_start3A_135 : memref<1x!tpu.dma_semaphore, #tpu.memory_space<semaphore_mem>> -> memref<!tpu.dma_semaphore, #tpu.memory_space<semaphore_mem>>
        %dma_start3A_137 = arith.constant 0 : i32
        %dma_start3A_138 = arith.constant 0 : i32
        %dma_start3A_139 = tpu.memref_slice %arg7[%rem3A_126, %dma_start3A_137, %dma_start3A_138] : memref<4x128x128xf32, #tpu.memory_space<vmem>> -> memref<1x128x128xf32, #tpu.memory_space<vmem>>
        %dma_start3A_140 = tpu.memref_squeeze %dma_start3A_139 : memref<1x128x128xf32, #tpu.memory_space<vmem>> -> memref<128x128xf32, #tpu.memory_space<vmem>>
        %dma_start3A_141 = arith.constant 0 : i32
        %dma_start3A_142 = tpu.memref_slice %arg2[%mul3A_128, %dma_start3A_141] : memref<100000x128xf32, #tpu.memory_space<hbm>> -> memref<128x128xf32, #tpu.memory_space<hbm>>
        tpu.enqueue_dma source(%dma_start3A_142 : memref<128x128xf32, #tpu.memory_space<hbm>>) target(%dma_start3A_140 : memref<128x128xf32, #tpu.memory_space<vmem>>) target_semaphore(%dma_start3A_136 : memref<!tpu.dma_semaphore, #tpu.memory_space<semaphore_mem>>)
      } else {
      }
      %dma_wait3A_92 = arith.constant 0 : i32
      %dma_wait3A_93 = arith.constant 0 : i32
      %dma_wait3A_94 = tpu.memref_slice %arg7[%rem3A_82, %dma_wait3A_92, %dma_wait3A_93] : memref<4x128x128xf32, #tpu.memory_space<vmem>> -> memref<1x128x128xf32, #tpu.memory_space<vmem>>
      %dma_wait3A_95 = tpu.memref_squeeze %dma_wait3A_94 : memref<1x128x128xf32, #tpu.memory_space<vmem>> -> memref<128x128xf32, #tpu.memory_space<vmem>>
      %dma_wait3A_96 = arith.constant 0 : i32
      %dma_wait3A_97 = arith.constant 0 : i32
      %dma_wait3A_98 = tpu.memref_slice %arg2[%dma_wait3A_96, %dma_wait3A_97] : memref<100000x128xf32, #tpu.memory_space<hbm>> -> memref<128x128xf32, #tpu.memory_space<hbm>>
      %dma_wait3A_99 = tpu.memref_slice %arg10[%rem3A_82] : memref<4x!tpu.dma_semaphore, #tpu.memory_space<semaphore_mem>> -> memref<1x!tpu.dma_semaphore, #tpu.memory_space<semaphore_mem>>
      %dma_wait3A_100 = tpu.memref_squeeze %dma_wait3A_99 : memref<1x!tpu.dma_semaphore, #tpu.memory_space<semaphore_mem>> -> memref<!tpu.dma_semaphore, #tpu.memory_space<semaphore_mem>>
      %dma_wait3A_101 = arith.constant 0 : i32
      %dma_wait3A_102 = arith.constant 0 : i32
      %dma_wait3A_103 = tpu.memref_slice %arg7[%rem3A_82, %dma_wait3A_101, %dma_wait3A_102] : memref<4x128x128xf32, #tpu.memory_space<vmem>> -> memref<1x128x128xf32, #tpu.memory_space<vmem>>
      %dma_wait3A_104 = tpu.memref_squeeze %dma_wait3A_103 : memref<1x128x128xf32, #tpu.memory_space<vmem>> -> memref<128x128xf32, #tpu.memory_space<vmem>>
      %dma_wait3A_105 = arith.constant 0 : i32
      %dma_wait3A_106 = arith.constant 0 : i32
      %dma_wait3A_107 = tpu.memref_slice %arg2[%dma_wait3A_105, %dma_wait3A_106] : memref<100000x128xf32, #tpu.memory_space<hbm>> -> memref<128x128xf32, #tpu.memory_space<hbm>>
      tpu.wait_dma2 semaphore(%dma_wait3A_100 : memref<!tpu.dma_semaphore, #tpu.memory_space<semaphore_mem>>) src(%dma_wait3A_107 : memref<128x128xf32, #tpu.memory_space<hbm>>) dst(%dma_wait3A_104 : memref<128x128xf32, #tpu.memory_space<vmem>>)
      %dma_start3A_108 = arith.constant 0 : i32
      %dma_start3A_109 = arith.constant 0 : i32
      %dma_start3A_110 = tpu.memref_slice %arg7[%rem3A_82, %dma_start3A_108, %dma_start3A_109] : memref<4x128x128xf32, #tpu.memory_space<vmem>> -> memref<1x128x128xf32, #tpu.memory_space<vmem>>
      %dma_start3A_111 = tpu.memref_squeeze %dma_start3A_110 : memref<1x128x128xf32, #tpu.memory_space<vmem>> -> memref<128x128xf32, #tpu.memory_space<vmem>>
      %dma_start3A_112 = arith.constant 0 : i32
      %dma_start3A_113 = tpu.memref_slice %arg6[%while3A_81, %dma_start3A_112] : memref<25x128xi32, #tpu.memory_space<vmem>> -> memref<1x128xi32, #tpu.memory_space<vmem>>
      %dma_start3A_114 = tpu.memref_squeeze %dma_start3A_113 : memref<1x128xi32, #tpu.memory_space<vmem>> -> memref<128xi32, #tpu.memory_space<vmem>>
      %dma_start3A_115 = arith.constant 0 : i32
      %dma_start3A_116 = arith.constant 0 : i32
      %dma_start3A_117 = tpu.memref_slice %arg9[%dma_start3A_115, %dma_start3A_116] : memref<4096x128xf32, #tpu.memory_space<vmem_shared>> -> memref<4096x128xf32, #tpu.memory_space<vmem_shared>>
      tpu.enqueue_indirect_dma source(%dma_start3A_111 : memref<128x128xf32, #tpu.memory_space<vmem>>) target(%dma_start3A_117 : memref<4096x128xf32, #tpu.memory_space<vmem_shared>>) offsets(%dma_start3A_114 : memref<128xi32, #tpu.memory_space<vmem>>) semaphore(%arg11 : memref<!tpu.dma_semaphore, #tpu.memory_space<semaphore_mem>>) {add = true}
    }
    %while3A_54 = arith.constant 1 : i32
    scf.for %while3A_81 = %while3A_52 to %while3A_48 step %while3A_54  : i32 {
      %rem3A = arith.constant 4 : i32
      %rem3A_82 = arith.remsi %while3A_81, %rem3A : i32
      %ge3A = arith.constant 2 : i32
      %ge3A_83 = arith.cmpi sge, %while3A_81, %ge3A : i32
      %convert_element_type3A_84 = arith.extui %ge3A_83 : i1 to i32
      %cond3A_85 = arith.constant 0 : i32
      %cond3A_86 = arith.cmpi ne, %convert_element_type3A_84, %cond3A_85 : i32
      scf.if %cond3A_86 {
        %dma_wait3A_118 = arith.constant 0 : i32
        %dma_wait3A_119 = arith.constant 0 : i32
        %dma_wait3A_120 = arith.constant 0 : i32
        %dma_wait3A_121 = arith.constant 0 : i32
        %dma_wait3A_122 = tpu.memref_slice %arg7[%dma_wait3A_118, %dma_wait3A_120, %dma_wait3A_121] : memref<4x128x128xf32, #tpu.memory_space<vmem>> -> memref<1x128x128xf32, #tpu.memory_space<vmem>>
        %dma_wait3A_123 = tpu.memref_squeeze %dma_wait3A_122 : memref<1x128x128xf32, #tpu.memory_space<vmem>> -> memref<128x128xf32, #tpu.memory_space<vmem>>
        %dma_wait3A_124 = arith.constant 0 : i32
        %dma_wait3A_125 = tpu.memref_slice %arg6[%dma_wait3A_119, %dma_wait3A_124] : memref<25x128xi32, #tpu.memory_space<vmem>> -> memref<1x128xi32, #tpu.memory_space<vmem>>
        %dma_wait3A_126 = tpu.memref_squeeze %dma_wait3A_125 : memref<1x128xi32, #tpu.memory_space<vmem>> -> memref<128xi32, #tpu.memory_space<vmem>>
        %dma_wait3A_127 = arith.constant 0 : i32
        %dma_wait3A_128 = arith.constant 0 : i32
        %dma_wait3A_129 = tpu.memref_slice %arg9[%dma_wait3A_127, %dma_wait3A_128] : memref<4096x128xf32, #tpu.memory_space<vmem_shared>> -> memref<4096x128xf32, #tpu.memory_space<vmem_shared>>
        tpu.wait_indirect_dma semaphore(%arg11 : memref<!tpu.dma_semaphore, #tpu.memory_space<semaphore_mem>>) src(%dma_wait3A_123 : memref<128x128xf32, #tpu.memory_space<vmem>>) dst(%dma_wait3A_129 : memref<4096x128xf32, #tpu.memory_space<vmem_shared>>)
      } else {
      }
      %add3A_87 = arith.constant 2 : i32
      %add3A_88 = arith.addi %while3A_81, %add3A_87 : i32
      %lt3A = arith.cmpi slt, %add3A_88, %select_n3A : i32
      %convert_element_type3A_89 = arith.extui %lt3A : i1 to i32
      %cond3A_90 = arith.constant 0 : i32
      %cond3A_91 = arith.cmpi ne, %convert_element_type3A_89, %cond3A_90 : i32
      scf.if %cond3A_91 {
        %add3A_118 = arith.constant 2 : i32
        %add3A_119 = arith.addi %while3A_81, %add3A_118 : i32
        %mul3A_120 = arith.constant 32 : i32
        %mul3A_121 = arith.muli %mul3A_120, %add3A_119 : i32
        %add3A_122 = arith.addi %add3A, %mul3A_121 : i32
        %add3A_123 = arith.constant 2 : i32
        %add3A_124 = arith.addi %while3A_81, %add3A_123 : i32
        %rem3A_125 = arith.constant 4 : i32
        %rem3A_126 = arith.remsi %add3A_124, %rem3A_125 : i32
        %mul3A_127 = arith.constant 128 : i32
        %mul3A_128 = arith.muli %add3A_122, %mul3A_127 : i32
        %dma_start3A_129 = arith.constant 0 : i32
        %dma_start3A_130 = arith.constant 0 : i32
        %dma_start3A_131 = tpu.memref_slice %arg7[%rem3A_126, %dma_start3A_129, %dma_start3A_130] : memref<4x128x128xf32, #tpu.memory_space<vmem>> -> memref<1x128x128xf32, #tpu.memory_space<vmem>>
        %dma_start3A_132 = tpu.memref_squeeze %dma_start3A_131 : memref<1x128x128xf32, #tpu.memory_space<vmem>> -> memref<128x128xf32, #tpu.memory_space<vmem>>
        %dma_start3A_133 = arith.constant 0 : i32
        %dma_start3A_134 = tpu.memref_slice %arg2[%mul3A_128, %dma_start3A_133] : memref<100000x128xf32, #tpu.memory_space<hbm>> -> memref<128x128xf32, #tpu.memory_space<hbm>>
        %dma_start3A_135 = tpu.memref_slice %arg10[%rem3A_126] : memref<4x!tpu.dma_semaphore, #tpu.memory_space<semaphore_mem>> -> memref<1x!tpu.dma_semaphore, #tpu.memory_space<semaphore_mem>>
        %dma_start3A_136 = tpu.memref_squeeze %dma_start3A_135 : memref<1x!tpu.dma_semaphore, #tpu.memory_space<semaphore_mem>> -> memref<!tpu.dma_semaphore, #tpu.memory_space<semaphore_mem>>
        %dma_start3A_137 = arith.constant 0 : i32
        %dma_start3A_138 = arith.constant 0 : i32
        %dma_start3A_139 = tpu.memref_slice %arg7[%rem3A_126, %dma_start3A_137, %dma_start3A_138] : memref<4x128x128xf32, #tpu.memory_space<vmem>> -> memref<1x128x128xf32, #tpu.memory_space<vmem>>
        %dma_start3A_140 = tpu.memref_squeeze %dma_start3A_139 : memref<1x128x128xf32, #tpu.memory_space<vmem>> -> memref<128x128xf32, #tpu.memory_space<vmem>>
        %dma_start3A_141 = arith.constant 0 : i32
        %dma_start3A_142 = tpu.memref_slice %arg2[%mul3A_128, %dma_start3A_141] : memref<100000x128xf32, #tpu.memory_space<hbm>> -> memref<128x128xf32, #tpu.memory_space<hbm>>
        tpu.enqueue_dma source(%dma_start3A_142 : memref<128x128xf32, #tpu.memory_space<hbm>>) target(%dma_start3A_140 : memref<128x128xf32, #tpu.memory_space<vmem>>) target_semaphore(%dma_start3A_136 : memref<!tpu.dma_semaphore, #tpu.memory_space<semaphore_mem>>)
      } else {
      }
      %dma_wait3A_92 = arith.constant 0 : i32
      %dma_wait3A_93 = arith.constant 0 : i32
      %dma_wait3A_94 = tpu.memref_slice %arg7[%rem3A_82, %dma_wait3A_92, %dma_wait3A_93] : memref<4x128x128xf32, #tpu.memory_space<vmem>> -> memref<1x128x128xf32, #tpu.memory_space<vmem>>
      %dma_wait3A_95 = tpu.memref_squeeze %dma_wait3A_94 : memref<1x128x128xf32, #tpu.memory_space<vmem>> -> memref<128x128xf32, #tpu.memory_space<vmem>>
      %dma_wait3A_96 = arith.constant 0 : i32
      %dma_wait3A_97 = arith.constant 0 : i32
      %dma_wait3A_98 = tpu.memref_slice %arg2[%dma_wait3A_96, %dma_wait3A_97] : memref<100000x128xf32, #tpu.memory_space<hbm>> -> memref<128x128xf32, #tpu.memory_space<hbm>>
      %dma_wait3A_99 = tpu.memref_slice %arg10[%rem3A_82] : memref<4x!tpu.dma_semaphore, #tpu.memory_space<semaphore_mem>> -> memref<1x!tpu.dma_semaphore, #tpu.memory_space<semaphore_mem>>
      %dma_wait3A_100 = tpu.memref_squeeze %dma_wait3A_99 : memref<1x!tpu.dma_semaphore, #tpu.memory_space<semaphore_mem>> -> memref<!tpu.dma_semaphore, #tpu.memory_space<semaphore_mem>>
      %dma_wait3A_101 = arith.constant 0 : i32
      %dma_wait3A_102 = arith.constant 0 : i32
      %dma_wait3A_103 = tpu.memref_slice %arg7[%rem3A_82, %dma_wait3A_101, %dma_wait3A_102] : memref<4x128x128xf32, #tpu.memory_space<vmem>> -> memref<1x128x128xf32, #tpu.memory_space<vmem>>
      %dma_wait3A_104 = tpu.memref_squeeze %dma_wait3A_103 : memref<1x128x128xf32, #tpu.memory_space<vmem>> -> memref<128x128xf32, #tpu.memory_space<vmem>>
      %dma_wait3A_105 = arith.constant 0 : i32
      %dma_wait3A_106 = arith.constant 0 : i32
      %dma_wait3A_107 = tpu.memref_slice %arg2[%dma_wait3A_105, %dma_wait3A_106] : memref<100000x128xf32, #tpu.memory_space<hbm>> -> memref<128x128xf32, #tpu.memory_space<hbm>>
      tpu.wait_dma2 semaphore(%dma_wait3A_100 : memref<!tpu.dma_semaphore, #tpu.memory_space<semaphore_mem>>) src(%dma_wait3A_107 : memref<128x128xf32, #tpu.memory_space<hbm>>) dst(%dma_wait3A_104 : memref<128x128xf32, #tpu.memory_space<vmem>>)
      %dma_start3A_108 = arith.constant 0 : i32
      %dma_start3A_109 = arith.constant 0 : i32
      %dma_start3A_110 = tpu.memref_slice %arg7[%rem3A_82, %dma_start3A_108, %dma_start3A_109] : memref<4x128x128xf32, #tpu.memory_space<vmem>> -> memref<1x128x128xf32, #tpu.memory_space<vmem>>
      %dma_start3A_111 = tpu.memref_squeeze %dma_start3A_110 : memref<1x128x128xf32, #tpu.memory_space<vmem>> -> memref<128x128xf32, #tpu.memory_space<vmem>>
      %dma_start3A_112 = arith.constant 0 : i32
      %dma_start3A_113 = tpu.memref_slice %arg6[%while3A_81, %dma_start3A_112] : memref<25x128xi32, #tpu.memory_space<vmem>> -> memref<1x128xi32, #tpu.memory_space<vmem>>
      %dma_start3A_114 = tpu.memref_squeeze %dma_start3A_113 : memref<1x128xi32, #tpu.memory_space<vmem>> -> memref<128xi32, #tpu.memory_space<vmem>>
      %dma_start3A_115 = arith.constant 0 : i32
      %dma_start3A_116 = arith.constant 0 : i32
      %dma_start3A_117 = tpu.memref_slice %arg9[%dma_start3A_115, %dma_start3A_116] : memref<4096x128xf32, #tpu.memory_space<vmem_shared>> -> memref<4096x128xf32, #tpu.memory_space<vmem_shared>>
      tpu.enqueue_indirect_dma source(%dma_start3A_111 : memref<128x128xf32, #tpu.memory_space<vmem>>) target(%dma_start3A_117 : memref<4096x128xf32, #tpu.memory_space<vmem_shared>>) offsets(%dma_start3A_114 : memref<128xi32, #tpu.memory_space<vmem>>) semaphore(%arg11 : memref<!tpu.dma_semaphore, #tpu.memory_space<semaphore_mem>>) {add = true}
    }
    %dma_wait3A = arith.constant 0 : i32
    %dma_wait3A_55 = arith.constant 0 : i32
    %dma_wait3A_56 = arith.constant 0 : i32
    %dma_wait3A_57 = arith.constant 0 : i32
    %dma_wait3A_58 = tpu.memref_slice %arg7[%dma_wait3A, %dma_wait3A_56, %dma_wait3A_57] : memref<4x128x128xf32, #tpu.memory_space<vmem>> -> memref<1x128x128xf32, #tpu.memory_space<vmem>>
    %dma_wait3A_59 = tpu.memref_squeeze %dma_wait3A_58 : memref<1x128x128xf32, #tpu.memory_space<vmem>> -> memref<128x128xf32, #tpu.memory_space<vmem>>
    %dma_wait3A_60 = arith.constant 0 : i32
    %dma_wait3A_61 = tpu.memref_slice %arg6[%dma_wait3A_55, %dma_wait3A_60] : memref<25x128xi32, #tpu.memory_space<vmem>> -> memref<1x128xi32, #tpu.memory_space<vmem>>
    %dma_wait3A_62 = tpu.memref_squeeze %dma_wait3A_61 : memref<1x128xi32, #tpu.memory_space<vmem>> -> memref<128xi32, #tpu.memory_space<vmem>>
    %dma_wait3A_63 = arith.constant 0 : i32
    %dma_wait3A_64 = arith.constant 0 : i32
    %dma_wait3A_65 = tpu.memref_slice %arg9[%dma_wait3A_63, %dma_wait3A_64] : memref<4096x128xf32, #tpu.memory_space<vmem_shared>> -> memref<4096x128xf32, #tpu.memory_space<vmem_shared>>
    tpu.wait_indirect_dma semaphore(%arg11 : memref<!tpu.dma_semaphore, #tpu.memory_space<semaphore_mem>>) src(%dma_wait3A_59 : memref<128x128xf32, #tpu.memory_space<vmem>>) dst(%dma_wait3A_65 : memref<4096x128xf32, #tpu.memory_space<vmem_shared>>)
    %dma_wait3A_66 = arith.constant 0 : i32
    %dma_wait3A_67 = arith.constant 0 : i32
    %dma_wait3A_68 = arith.constant 0 : i32
    %dma_wait3A_69 = arith.constant 0 : i32
    %dma_wait3A_70 = tpu.memref_slice %arg7[%dma_wait3A_66, %dma_wait3A_68, %dma_wait3A_69] : memref<4x128x128xf32, #tpu.memory_space<vmem>> -> memref<1x128x128xf32, #tpu.memory_space<vmem>>
    %dma_wait3A_71 = tpu.memref_squeeze %dma_wait3A_70 : memref<1x128x128xf32, #tpu.memory_space<vmem>> -> memref<128x128xf32, #tpu.memory_space<vmem>>
    %dma_wait3A_72 = arith.constant 0 : i32
    %dma_wait3A_73 = tpu.memref_slice %arg6[%dma_wait3A_67, %dma_wait3A_72] : memref<25x128xi32, #tpu.memory_space<vmem>> -> memref<1x128xi32, #tpu.memory_space<vmem>>
    %dma_wait3A_74 = tpu.memref_squeeze %dma_wait3A_73 : memref<1x128xi32, #tpu.memory_space<vmem>> -> memref<128xi32, #tpu.memory_space<vmem>>
    %dma_wait3A_75 = arith.constant 0 : i32
    %dma_wait3A_76 = arith.constant 0 : i32
    %dma_wait3A_77 = tpu.memref_slice %arg9[%dma_wait3A_75, %dma_wait3A_76] : memref<4096x128xf32, #tpu.memory_space<vmem_shared>> -> memref<4096x128xf32, #tpu.memory_space<vmem_shared>>
    tpu.wait_indirect_dma semaphore(%arg11 : memref<!tpu.dma_semaphore, #tpu.memory_space<semaphore_mem>>) src(%dma_wait3A_71 : memref<128x128xf32, #tpu.memory_space<vmem>>) dst(%dma_wait3A_77 : memref<4096x128xf32, #tpu.memory_space<vmem_shared>>)
    %eq3A = arith.constant 13 : i32
    %eq3A_78 = arith.cmpi eq, %add3A, %eq3A : i32
    %convert_element_type3A = arith.extui %eq3A_78 : i1 to i32
    %cond3A = arith.constant 0 : i32
    %cond3A_79 = arith.cmpi ne, %convert_element_type3A, %cond3A : i32
    scf.if %cond3A_79 {
      "tpu.region"() ({
        %run_scoped3A_81 = tpu.sem_alloc : memref<!tpu.dma_semaphore, #tpu.memory_space<semaphore_mem>>
        %dma_start3A_82 = arith.constant 0 : i32
        %dma_start3A_83 = arith.constant 0 : i32
        %dma_start3A_84 = tpu.memref_slice %arg8[%dma_start3A_82, %dma_start3A_83] : memref<128x128xf32, #tpu.memory_space<vmem>> -> memref<32x128xf32, #tpu.memory_space<vmem>>
        %dma_start3A_85 = arith.constant 99968 : i32
        %dma_start3A_86 = arith.constant 0 : i32
        %dma_start3A_87 = tpu.memref_slice %arg2[%dma_start3A_85, %dma_start3A_86] : memref<100000x128xf32, #tpu.memory_space<hbm>> -> memref<32x128xf32, #tpu.memory_space<hbm>>
        %dma_start3A_88 = arith.constant 0 : i32
        %dma_start3A_89 = arith.constant 0 : i32
        %dma_start3A_90 = tpu.memref_slice %arg8[%dma_start3A_88, %dma_start3A_89] : memref<128x128xf32, #tpu.memory_space<vmem>> -> memref<32x128xf32, #tpu.memory_space<vmem>>
        %dma_start3A_91 = arith.constant 99968 : i32
        %dma_start3A_92 = arith.constant 0 : i32
        %dma_start3A_93 = tpu.memref_slice %arg2[%dma_start3A_91, %dma_start3A_92] : memref<100000x128xf32, #tpu.memory_space<hbm>> -> memref<32x128xf32, #tpu.memory_space<hbm>>
        tpu.enqueue_dma source(%dma_start3A_93 : memref<32x128xf32, #tpu.memory_space<hbm>>) target(%dma_start3A_90 : memref<32x128xf32, #tpu.memory_space<vmem>>) target_semaphore(%run_scoped3A_81 : memref<!tpu.dma_semaphore, #tpu.memory_space<semaphore_mem>>)
        %dma_wait3A_94 = arith.constant 0 : i32
        %dma_wait3A_95 = arith.constant 0 : i32
        %dma_wait3A_96 = tpu.memref_slice %arg8[%dma_wait3A_94, %dma_wait3A_95] : memref<128x128xf32, #tpu.memory_space<vmem>> -> memref<32x128xf32, #tpu.memory_space<vmem>>
        %dma_wait3A_97 = arith.constant 99968 : i32
        %dma_wait3A_98 = arith.constant 0 : i32
        %dma_wait3A_99 = tpu.memref_slice %arg2[%dma_wait3A_97, %dma_wait3A_98] : memref<100000x128xf32, #tpu.memory_space<hbm>> -> memref<32x128xf32, #tpu.memory_space<hbm>>
        %dma_wait3A_100 = arith.constant 0 : i32
        %dma_wait3A_101 = arith.constant 0 : i32
        %dma_wait3A_102 = tpu.memref_slice %arg8[%dma_wait3A_100, %dma_wait3A_101] : memref<128x128xf32, #tpu.memory_space<vmem>> -> memref<32x128xf32, #tpu.memory_space<vmem>>
        %dma_wait3A_103 = arith.constant 99968 : i32
        %dma_wait3A_104 = arith.constant 0 : i32
        %dma_wait3A_105 = tpu.memref_slice %arg2[%dma_wait3A_103, %dma_wait3A_104] : memref<100000x128xf32, #tpu.memory_space<hbm>> -> memref<32x128xf32, #tpu.memory_space<hbm>>
        tpu.wait_dma2 semaphore(%run_scoped3A_81 : memref<!tpu.dma_semaphore, #tpu.memory_space<semaphore_mem>>) src(%dma_wait3A_105 : memref<32x128xf32, #tpu.memory_space<hbm>>) dst(%dma_wait3A_102 : memref<32x128xf32, #tpu.memory_space<vmem>>)
        tpu.yield
      }) : () -> ()
      %run_scoped3A = arith.constant 24 : i32
      "tpu.region"() ({
        %run_scoped3A_81 = tpu.sem_alloc : memref<!tpu.dma_semaphore, #tpu.memory_space<semaphore_mem>>
        %dma_start3A_82 = arith.constant 0 : i32
        %dma_start3A_83 = tpu.memref_slice %arg6[%run_scoped3A, %dma_start3A_82] : memref<25x128xi32, #tpu.memory_space<vmem>> -> memref<1x128xi32, #tpu.memory_space<vmem>>
        %dma_start3A_84 = tpu.memref_squeeze %dma_start3A_83 : memref<1x128xi32, #tpu.memory_space<vmem>> -> memref<128xi32, #tpu.memory_space<vmem>>
        %dma_start3A_85 = arith.constant 0 : i32
        %dma_start3A_86 = arith.constant 0 : i32
        %dma_start3A_87 = tpu.memref_slice %arg9[%dma_start3A_85, %dma_start3A_86] : memref<4096x128xf32, #tpu.memory_space<vmem_shared>> -> memref<4096x128xf32, #tpu.memory_space<vmem_shared>>
        tpu.enqueue_indirect_dma source(%arg8 : memref<128x128xf32, #tpu.memory_space<vmem>>) target(%dma_start3A_87 : memref<4096x128xf32, #tpu.memory_space<vmem_shared>>) offsets(%dma_start3A_84 : memref<128xi32, #tpu.memory_space<vmem>>) semaphore(%run_scoped3A_81 : memref<!tpu.dma_semaphore, #tpu.memory_space<semaphore_mem>>) {add = true}
        %dma_wait3A_88 = arith.constant 0 : i32
        %dma_wait3A_89 = tpu.memref_slice %arg6[%run_scoped3A, %dma_wait3A_88] : memref<25x128xi32, #tpu.memory_space<vmem>> -> memref<1x128xi32, #tpu.memory_space<vmem>>
        %dma_wait3A_90 = tpu.memref_squeeze %dma_wait3A_89 : memref<1x128xi32, #tpu.memory_space<vmem>> -> memref<128xi32, #tpu.memory_space<vmem>>
        %dma_wait3A_91 = arith.constant 0 : i32
        %dma_wait3A_92 = arith.constant 0 : i32
        %dma_wait3A_93 = tpu.memref_slice %arg9[%dma_wait3A_91, %dma_wait3A_92] : memref<4096x128xf32, #tpu.memory_space<vmem_shared>> -> memref<4096x128xf32, #tpu.memory_space<vmem_shared>>
        tpu.wait_indirect_dma semaphore(%run_scoped3A_81 : memref<!tpu.dma_semaphore, #tpu.memory_space<semaphore_mem>>) src(%arg8 : memref<128x128xf32, #tpu.memory_space<vmem>>) dst(%dma_wait3A_93 : memref<4096x128xf32, #tpu.memory_space<vmem_shared>>)
        tpu.yield
      }) : () -> ()
    } else {
    }
    %barrier3A_80 = arith.constant 0 : index
    tpu.barrier barrier_id(%barrier3A_80)
    "tpu.region"() ({
      %run_scoped3A = tpu.sem_alloc : memref<!tpu.dma_semaphore, #tpu.memory_space<semaphore_mem>>
      %dma_start3A_81 = arith.constant 0 : i32
      %dma_start3A_82 = tpu.memref_slice %arg5[%arg0, %mul3A_2, %dma_start3A_81] : memref<2x4096x128xf32, #tpu.memory_space<hbm>> -> memref<1x256x128xf32, #tpu.memory_space<hbm>>
      %dma_start3A_83 = tpu.memref_squeeze %dma_start3A_82 : memref<1x256x128xf32, #tpu.memory_space<hbm>> -> memref<256x128xf32, #tpu.memory_space<hbm>>
      %dma_start3A_84 = arith.constant 0 : i32
      %dma_start3A_85 = tpu.memref_slice %arg9[%mul3A_2, %dma_start3A_84] : memref<4096x128xf32, #tpu.memory_space<vmem_shared>> -> memref<256x128xf32, #tpu.memory_space<vmem_shared>>
      tpu.enqueue_dma source(%dma_start3A_85 : memref<256x128xf32, #tpu.memory_space<vmem_shared>>) target(%dma_start3A_83 : memref<256x128xf32, #tpu.memory_space<hbm>>) target_semaphore(%run_scoped3A : memref<!tpu.dma_semaphore, #tpu.memory_space<semaphore_mem>>)
      %dma_wait3A_86 = arith.constant 0 : i32
      %dma_wait3A_87 = tpu.memref_slice %arg5[%arg0, %mul3A_2, %dma_wait3A_86] : memref<2x4096x128xf32, #tpu.memory_space<hbm>> -> memref<1x256x128xf32, #tpu.memory_space<hbm>>
      %dma_wait3A_88 = tpu.memref_squeeze %dma_wait3A_87 : memref<1x256x128xf32, #tpu.memory_space<hbm>> -> memref<256x128xf32, #tpu.memory_space<hbm>>
      %dma_wait3A_89 = arith.constant 0 : i32
      %dma_wait3A_90 = tpu.memref_slice %arg9[%mul3A_2, %dma_wait3A_89] : memref<4096x128xf32, #tpu.memory_space<vmem_shared>> -> memref<256x128xf32, #tpu.memory_space<vmem_shared>>
      tpu.wait_dma2 semaphore(%run_scoped3A : memref<!tpu.dma_semaphore, #tpu.memory_space<semaphore_mem>>) src(%dma_wait3A_90 : memref<256x128xf32, #tpu.memory_space<vmem_shared>>) dst(%dma_wait3A_88 : memref<256x128xf32, #tpu.memory_space<hbm>>)
      tpu.yield
    }) : () -> ()
    return
  }
}

module attributes {stable_mosaic.version = 14 : i64} {
  func.func @_tc_body(%arg0: memref<2x4096x128xf32, #tpu.memory_space<vmem>>, %arg1: memref<1x128xf32, #tpu.memory_space<vmem>>, %arg2: memref<1x128xf32, #tpu.memory_space<vmem>>, %arg3: memref<128x128xf32, #tpu.memory_space<vmem>>, %arg4: memref<1x128xf32, #tpu.memory_space<vmem>>, %arg5: memref<128x128xf32, #tpu.memory_space<vmem>>, %arg6: memref<1x128xf32, #tpu.memory_space<vmem>>, %arg7: memref<4096x128xf32, #tpu.memory_space<vmem>>) attributes {dimension_semantics = [], scalar_prefetch = 0 : i64, scratch_operands = 0 : i64, tpu.core_type = #tpu.core_type<tc>} {
    %get3A = arith.constant 0 : index
    %get3A_0 = arith.constant 0 : index
    %get3A_1 = arith.constant 0 : index
    %get3A_2 = vector.load %arg0[%get3A, %get3A_0, %get3A_1] : memref<2x4096x128xf32, #tpu.memory_space<vmem>>, vector<1x4096x128xf32>
    %get3A_3 = vector.shape_cast %get3A_2 : vector<1x4096x128xf32> to vector<4096x128xf32>
    %get3A_4 = arith.constant 1 : index
    %get3A_5 = arith.constant 0 : index
    %get3A_6 = arith.constant 0 : index
    %get3A_7 = vector.load %arg0[%get3A_4, %get3A_5, %get3A_6] : memref<2x4096x128xf32, #tpu.memory_space<vmem>>, vector<1x4096x128xf32>
    %get3A_8 = vector.shape_cast %get3A_7 : vector<1x4096x128xf32> to vector<4096x128xf32>
    %add3A = arith.addf %get3A_3, %get3A_8 : vector<4096x128xf32>
    %reduce_sum3A = arith.constant dense<0.000000e+00> : vector<128xf32>
    %reduce_sum3A_9 = vector.multi_reduction <add>, %add3A, %reduce_sum3A [0] : vector<4096x128xf32> to vector<128xf32>
    %broadcast_in_dim3A = vector.shape_cast %reduce_sum3A_9 : vector<128xf32> to vector<1x128xf32>
    %div3A = arith.constant 4.096000e+03 : f32
    %div3A_10 = vector.broadcast %div3A : f32 to vector<1x128xf32>
    %div3A_11 = arith.divf %broadcast_in_dim3A, %div3A_10 : vector<1x128xf32>
    %sub3A = vector.broadcast %div3A_11 : vector<1x128xf32> to vector<4096x128xf32>
    %sub3A_12 = arith.subf %add3A, %sub3A : vector<4096x128xf32>
    %mul3A = arith.mulf %sub3A_12, %sub3A_12 : vector<4096x128xf32>
    %reduce_sum3A_13 = arith.constant dense<0.000000e+00> : vector<128xf32>
    %reduce_sum3A_14 = vector.multi_reduction <add>, %mul3A, %reduce_sum3A_13 [0] : vector<4096x128xf32> to vector<128xf32>
    %broadcast_in_dim3A_15 = vector.shape_cast %reduce_sum3A_14 : vector<128xf32> to vector<1x128xf32>
    %div3A_16 = arith.constant 4.096000e+03 : f32
    %div3A_17 = vector.broadcast %div3A_16 : f32 to vector<1x128xf32>
    %div3A_18 = arith.divf %broadcast_in_dim3A_15, %div3A_17 : vector<1x128xf32>
    %add3A_19 = arith.constant 9.99999974E-6 : f32
    %add3A_20 = vector.broadcast %add3A_19 : f32 to vector<1x128xf32>
    %add3A_21 = arith.addf %div3A_18, %add3A_20 : vector<1x128xf32>
    %rsqrt3A = math.rsqrt %add3A_21 : vector<1x128xf32>
    %mul3A_22 = vector.broadcast %rsqrt3A : vector<1x128xf32> to vector<4096x128xf32>
    %mul3A_23 = arith.mulf %sub3A_12, %mul3A_22 : vector<4096x128xf32>
    %get3A_24 = arith.constant 0 : index
    %get3A_25 = arith.constant 0 : index
    %get3A_26 = vector.load %arg1[%get3A_24, %get3A_25] : memref<1x128xf32, #tpu.memory_space<vmem>>, vector<1x128xf32>
    %mul3A_27 = vector.broadcast %get3A_26 : vector<1x128xf32> to vector<4096x128xf32>
    %mul3A_28 = arith.mulf %mul3A_23, %mul3A_27 : vector<4096x128xf32>
    %get3A_29 = arith.constant 0 : index
    %get3A_30 = arith.constant 0 : index
    %get3A_31 = vector.load %arg2[%get3A_29, %get3A_30] : memref<1x128xf32, #tpu.memory_space<vmem>>, vector<1x128xf32>
    %add3A_32 = vector.broadcast %get3A_31 : vector<1x128xf32> to vector<4096x128xf32>
    %add3A_33 = arith.addf %mul3A_28, %add3A_32 : vector<4096x128xf32>
    %get3A_34 = arith.constant 0 : index
    %get3A_35 = arith.constant 0 : index
    %get3A_36 = vector.load %arg3[%get3A_34, %get3A_35] : memref<128x128xf32, #tpu.memory_space<vmem>>, vector<128x128xf32>
    %dot_general3A = arith.constant dense<0.000000e+00> : vector<4096x128xf32>
    %dot_general3A_37 = tpu.matmul %add3A_33, %get3A_36, %dot_general3A {dimension_numbers = #tpu.dot_dimension_numbers<[1], [0], [0], [1], [0, 0, 1, 1], [], []>, transpose_lhs_hint = false} : vector<4096x128xf32>, vector<128x128xf32>, vector<4096x128xf32> -> vector<4096x128xf32>
    %get3A_38 = arith.constant 0 : index
    %get3A_39 = arith.constant 0 : index
    %get3A_40 = vector.load %arg4[%get3A_38, %get3A_39] : memref<1x128xf32, #tpu.memory_space<vmem>>, vector<1x128xf32>
    %add3A_41 = vector.broadcast %get3A_40 : vector<1x128xf32> to vector<4096x128xf32>
    %add3A_42 = arith.addf %dot_general3A_37, %add3A_41 : vector<4096x128xf32>
    %max3A = arith.constant 0.000000e+00 : f32
    %max3A_43 = vector.broadcast %max3A : f32 to vector<4096x128xf32>
    %max3A_44 = arith.maximumf %add3A_42, %max3A_43 : vector<4096x128xf32>
    %get3A_45 = arith.constant 0 : index
    %get3A_46 = arith.constant 0 : index
    %get3A_47 = vector.load %arg5[%get3A_45, %get3A_46] : memref<128x128xf32, #tpu.memory_space<vmem>>, vector<128x128xf32>
    %dot_general3A_48 = arith.constant dense<0.000000e+00> : vector<4096x128xf32>
    %dot_general3A_49 = tpu.matmul %max3A_44, %get3A_47, %dot_general3A_48 {dimension_numbers = #tpu.dot_dimension_numbers<[1], [0], [0], [1], [0, 0, 1, 1], [], []>, transpose_lhs_hint = false} : vector<4096x128xf32>, vector<128x128xf32>, vector<4096x128xf32> -> vector<4096x128xf32>
    %get3A_50 = arith.constant 0 : index
    %get3A_51 = arith.constant 0 : index
    %get3A_52 = vector.load %arg6[%get3A_50, %get3A_51] : memref<1x128xf32, #tpu.memory_space<vmem>>, vector<1x128xf32>
    %add3A_53 = vector.broadcast %get3A_52 : vector<1x128xf32> to vector<4096x128xf32>
    %add3A_54 = arith.addf %dot_general3A_49, %add3A_53 : vector<4096x128xf32>
    %swap3A = arith.constant 0 : index
    %swap3A_55 = arith.constant 0 : index
    %swap3A_56 = vector.load %arg7[%swap3A, %swap3A_55] : memref<4096x128xf32, #tpu.memory_space<vmem>>, vector<4096x128xf32>
    tpu.vector_store %arg7[%swap3A, %swap3A_55], %add3A_54 {strides = array<i32>} : memref<4096x128xf32, #tpu.memory_space<vmem>>, vector<4096x128xf32>,
    return
  }
}

</mosaic_0001>

<sc_bundles>
// kernel: kernel.4.cloned.1.call-start
scs
__scs_entry_jumppad:
0x0: {  	(pc) =	sbr.rel $0x88, $3  }
0x1: {  	(tag) =	ssettag $0x0;
	lr =	simm.s32 $0x1  }
0x2: {  	[smem:$0x3F99] =	sst lr;
	_ =	strace $0xD0000000  }
0x3: {  	_ = 	snop  }
0x4: {  	_ = 	snop  }
0x5: {  	_ = 	snop  }
0x6: {  	_ = 	snop  }
0x7: {  	_ = 	snop  }
__scs_overlays_trampoline_lowered:
0x8: {  	[smem:$0x3FA8] =	sst s0  }
0x9: {  	[smem:$0x3FA9] =	sst s1  }
0xa: {  	[smem:$0x3FAA] =	sst s2  }
0xb: {  	[smem:$0x3FAB] =	sst s3  }
0xc: {  	[smem:$0x3FAC] =	sst s4  }
0xd: {  	[smem:$0x3FAD] =	sst s5  }
0xe: {  	[smem:$0x3FAE] =	sst s6  }
0xf: {  	[smem:$0x3FAF] =	sst s7  }
0x10: {  	[smem:$0x3FB0] =	sst s8  }
0x11: {  	[smem:$0x3FB1] =	sst s9;
	s0 =	simm.s32 @!p0 $0x0  }
0x12: {  	s1 =	sld [smem:$0x3F97];
	s0 =	simm.s32 @p0 $0x1  }
0x13: {  	[smem:$0x3FB2] =	sst s0;
	s0 =	simm.s32 @!p1 $0x0  }
0x14: {  	s2 =	sld [smem:$0x3F96];
	s0 =	simm.s32 @p1 $0x1  }
0x15: {  	[smem:$0x3FB3] =	sst s0;
	s0 =	simm.s32 @!p2 $0x0  }
0x16: {  	s3 =	sld [smem:$0x3FDB];
	s0 =	simm.s32 @p2 $0x1  }
0x17: {  	s4 =	simm.s32 $0x1BF5;
	[smem:$0x3FB5] =	sst s0  }
0x18: {  	s0 =	sld [smem:$0x3F98];
	_ =	swait.ge [sflag:s4], $0x0  }
0x19: {  	s7 =	sld [smem:$0x3F99]  }
0x1a: {  	s8 =	sadd.s32 $0xFFFFE003, lr  }
0x1b: {  	s9 =	sadd.s32 $0xFFFFFEF7, lr;
	s5 =	simm.s32 $0xFFFFFFFF;
	p2 =	slt.u32 s8, $0xFFFFF086  }
0x1c: {  	p1 =	slt.u32 s9, $0xF7A;
	s5 =	simm.s32 @!p2 $0x0  }
0x1d: {  	s5 =	simm.s32 @p1 $0x1;
	p0 =	seq.s32 s7, s2  }
0x1e: {  	s7 =	smul.u32 @!p0 $0xF7A, s2;
	p2 =	seq.s32 @!p0 s5, $0x0  }
0x1f: {  	s9 =	smul.u32 $0xF7A, s1;
	s8 =	simm.s32 @!p0 $0x1BF5;
	p2 =	por !p2, p0  }
0x20: {  	[sflag:s8] =	ssyncset.s32 @!p0 $0xFFFFF086;
	s6 =	sadd.s32 @!p0 s3, s7;
	s7 =	simm.s32 @!p0 $0x108  }
0x21: {  	s3 =	sadd.s32 s3, s9;
	s6 =	sadd.s32 @!p0 $0x88, s6;
	s7 =	simm.s32 @p2 $0x1082  }
0x22: {  	[simem:s7], [sflag:s8] =	dma.local @!p0 [hbm:s6], $0xF7A  }
0x23: {  	s9 =	sor.u32 $0xD0000000, s2;
	s6 =	simm.s32 $0x108;
	_ =	swait.ge @!p0 [sflag:s8], $0x0  }
0x24: {  	s3 =	sadd.s32 $0x88, s3;
	s6 =	simm.s32 @!p1 $0x1082;
	[sflag:s4] =	ssyncset.s32 $0xFFFFF086  }
0x25: {  	[simem:s6], [sflag:s4] =	dma.local [hbm:s3], $0xF7A  }
0x26: {  	[smem:$0x3F99] =	sst s1;
	(tag) =	ssettag s2;
	_ =	strace s9  }
0x27: {  	s1 =	sld [smem:$0x3FA9]  }
0x28: {  	s2 =	sld [smem:$0x3FAA]  }
0x29: {  	s4 =	sld [smem:$0x3FAC]  }
0x2a: {  	p0 =	seq.s32 s5, $0x0;
	s5 =	sld [smem:$0x3FAD]  }
0x2b: {  	s6 =	sld [smem:$0x3FAE]  }
0x2c: {  	s7 =	sld [smem:$0x3FAF]  }
0x2d: {  	s3 =	simm.s32 $0x108;
	s8 =	sld [smem:$0x3FB0]  }
0x2e: {  	s3 =	simm.s32 @!p0 $0x1082;
	s9 =	sld [smem:$0x3FB1]  }
0x2f: {  	lr =	sadd.s32 s0, s3;
	s0 =	sld [smem:$0x3FA8]  }
0x30: {  	s3 =	sld [smem:$0x3FAB]  }
0x31: {  	[smem:$0x3FB4] =	sst s10  }
0x32: {  	s10 =	sld [smem:$0x3FB2];
	_ =	sdelay $0x3  }
0x33: {  	p0 =	seq.s32 s10, $0x1;
	s10 =	sld [smem:$0x3FB4];
	_ =	sdelay $0x3  }
0x34: {  	[smem:$0x3FB4] =	sst s10  }
0x35: {  	s10 =	sld [smem:$0x3FB3];
	_ =	sdelay $0x3  }
0x36: {  	p1 =	seq.s32 s10, $0x1;
	s10 =	sld [smem:$0x3FB4];
	_ =	sdelay $0x3  }
0x37: {  	[smem:$0x3FB4] =	sst s10  }
0x38: {  	s10 =	sld [smem:$0x3FB5]  }
0x39: {  	_ = 	snop;
	(pc) =	sbr.ind lr, $3  }
0x3a: {  	_ = 	snop  }
0x3b: {  	_ = 	snop  }
0x3c: {  	p2 =	seq.s32 s10, $0x1;
	s10 =	sld [smem:$0x3FB4]  }
0x3d: {  	_ =	shalt  }
0x3e: {  	_ =	shalt  }
0x3f: {  	_ =	shalt  }
0x40: {  	_ =	shalt  }
0x41: {  	_ =	shalt  }
0x42: {  	_ =	shalt  }
0x43: {  	_ =	shalt  }
0x44: {  	_ =	shalt  }
0x45: {  	_ =	shalt  }
0x46: {  	_ =	shalt  }
0x47: {  	_ =	shalt  }
0x48: {  	_ =	shalt  }
0x49: {  	_ =	shalt  }
0x4a: {  	_ =	shalt  }
0x4b: {  	_ =	shalt  }
0x4c: {  	_ =	shalt  }
0x4d: {  	_ =	shalt  }
0x4e: {  	_ =	shalt  }
0x4f: {  	_ =	shalt  }
0x50: {  	_ =	shalt  }
0x51: {  	_ =	shalt  }
0x52: {  	_ =	shalt  }
0x53: {  	_ =	shalt  }
0x54: {  	_ =	shalt  }
0x55: {  	_ =	shalt  }
0x56: {  	_ =	shalt  }
0x57: {  	_ =	shalt  }
0x58: {  	_ =	shalt  }
0x59: {  	_ =	shalt  }
0x5a: {  	_ =	shalt  }
0x5b: {  	_ =	shalt  }
0x5c: {  	_ =	shalt  }
0x5d: {  	_ =	shalt  }
0x5e: {  	_ =	shalt  }
0x5f: {  	_ =	shalt  }
0x60: {  	_ =	shalt  }
0x61: {  	_ =	shalt  }
0x62: {  	_ =	shalt  }
0x63: {  	_ =	shalt  }
0x64: {  	_ =	shalt  }
0x65: {  	_ =	shalt  }
0x66: {  	_ =	shalt  }
0x67: {  	_ =	shalt  }
0x68: {  	_ =	shalt  }
0x69: {  	_ =	shalt  }
0x6a: {  	_ =	shalt  }
0x6b: {  	_ =	shalt  }
0x6c: {  	_ =	shalt  }
0x6d: {  	_ =	shalt  }
0x6e: {  	_ =	shalt  }
0x6f: {  	_ =	shalt  }
0x70: {  	_ =	shalt  }
0x71: {  	_ =	shalt  }
0x72: {  	_ =	shalt  }
0x73: {  	_ =	shalt  }
0x74: {  	_ =	shalt  }
0x75: {  	_ =	shalt  }
0x76: {  	_ =	shalt  }
0x77: {  	_ =	shalt  }
0x78: {  	_ =	shalt  }
0x79: {  	_ =	shalt  }
0x7a: {  	_ =	shalt  }
0x7b: {  	_ =	shalt  }
0x7c: {  	_ =	shalt  }
0x7d: {  	_ =	shalt  }
0x7e: {  	_ =	shalt  }
0x7f: {  	_ =	shalt  }
0x80: {  	_ =	shalt  }
0x81: {  	_ =	shalt  }
0x82: {  	_ =	shalt  }
0x83: {  	_ =	shalt  }
0x84: {  	_ =	shalt  }
0x85: {  	_ =	shalt  }
0x86: {  	_ =	shalt  }
0x87: {  	_ =	shalt  }
.Lfunc_end0:
.L_simem_size_0:
called_computation_lowered:
.L_overlay_start_0:
0x88: {  	s2 =	sld [smem:$0x3FD9]  }
0x89: {  	s3 =	sld [smem:$0x3FFE];
	_ =	sdelay $0x1  }
0x8a: {  	s1 =	srdreg.scid  }
0x8b: {  	s0 =	sand.u32 $0x1, s1  }
0x8c: {  	s17 =	sshll.u32 s0, $0xA;
	s2 =	sadd.s32 s3, s2  }
0x8d: {  	s2 =	sadd.s32 s2, s17  }
0x8e: {  	[smem:$0x3FC0] =	sst s2  }
0x8f: {  	_ = 	snop  }
0x90: {  	s2 =	sld [smem:$0x3FC9]  }
0x91: {  	s18 =	sld [smem:$0x3FD0];
	(tm) =	ssettm $0x1  }
0x92: {  	s4 =	sld [smem:$0x3FFB];
	_ =	sdelay $0x3  }
0x93: {  	_ =	strace s4  }
0x94: {  	s4 =	sld [smem:$0x3FFC];
	_ =	sdelay $0x3  }
0x95: {  	_ =	strace s4  }
0x96: {  	s4 =	sld [smem:$0x3FFD];
	_ =	sdelay $0x3  }
0x97: {  	_ =	strace s4  }
0x98: {  	_ =	strace $0x8FFFFFFF  }
0x99: {  	s19 =	sld [smem:$0x3FDB];
	_ =	sdelay $0x1  }
0x9a: {  	s5 =	simm.s32 $_scs_section_size  }
0x9b: {  	s6 =	simm.s32 $_size__tile_overlayer_lowered;
	s7 =	simm.s32 $_tile_overlayer_lowered  }
0x9c: {  	s22 =	simm.s32 $0x1BFF;
	s21 =	sshll.u32 s7, $0x1;
	s4 =	sadd.s32 s5, s19  }
0x9d: {  	s8 =	simm.s32 $0x0;
	s20 =	sshll.u32 s6, $0x1;
	s6 =	sadd.s32 s21, s4  }
0x9e: {  	[timem:s8], [sflag:s22] =	dma.local [hbm:s6], s20  }
0x9f: {  	_ =	swait.ge [sflag:s22], s20  }
0xa0: {  	s5 =	ssub.s32 $0x0, s20;
	[sflag:s22] =	ssyncset.done $0x0  }
0xa1: {  	[sflag:s22] =	ssyncadd.s32 s5;
	_ =	sdelay $0x1  }
0xa2: {  	s23 =	simm.s32 $0x1B8B  }
0xa3: {  	_ =	swait.ge [sflag:s23], $0x1  }
0xa4: {  	[sflag:s23] =	ssyncset.done $0x0  }
0xa5: {  	s25 =	simm.s32 $0x1B8E;
	s24 =	sld [smem:$0x3FFE];
	[sflag:s23] =	ssyncadd.s32 $0xFFFFFFFF  }
0xa6: {  	s26 =	simm.s32 $execute0_lowered;
	[smem:$0x3FD2] =	sst s25  }
0xa7: {  	s6 =	sshll.u32 s26, $0x1;
	_ =	strace $0x80000046;
	[dreg:$0x1] =	wrdreg $0xFFFFFFFF  }
0xa8: {  	s28 =	simm.s32 $_size_execute0_lowered;
	s4 =	sadd.s32 s4, s6;
	[dreg:$0x0] =	wrdreg $0x0  }
0xa9: {  	s6 =	sshll.u32 s28, $0x1;
	[dreg:$0x2] =	wrdreg s4  }
0xaa: {  	[dreg:$0x3] =	wrdreg s6  }
0xab: {  	[dreg:$0x4] =	wrdreg $0xC0  }
0xac: {  	_ =	task [dreg:s8], $0x5FFFF  }
0xad: {  	[dreg:$0x1] =	wrdreg $0xFFFFFFFF  }
0xae: {  	[dreg:$0x0] =	wrdreg $0x60  }
0xaf: {  	[dreg:$0x2] =	wrdreg s2  }
0xb0: {  	[dreg:$0x3] =	wrdreg s24  }
0xb1: {  	[dreg:$0x4] =	wrdreg s18  }
0xb2: {  	[dreg:$0x5] =	wrdreg $0x150000  }
0xb3: {  	[dreg:$0x6] =	wrdreg $0x9  }
0xb4: {  	_ =	task.clear_ibuf [dreg:s8], $0x7FFFF;
	_ =	strace $0x90000046  }
0xb5: {  	s29 =	simm.s32 $0x9;
	_ =	strace $0x80000048  }
0xb6: {  	_ =	swait.ge [sflag:s29], $0x1  }
0xb7: {  	[sflag:s29] =	ssyncadd.s32 $0xFFFFFFFF  }
0xb8: {  	_ =	strace $0x90000048  }
0xb9: {  	_ =	sfence  }
0xba: {  	s30 =	sld [smem:$0x0];
	_ =	sdelay $0x2  }
0xbb: {  	s31 =	sshll.u32 s1, $0xD;
	s1 =	sshrl.u32 s1, $0x2  }
0xbc: {  	s3 =	sand.u32 $0x4000, s31;
	s1 =	sadd.s32 s1, s30  }
0xbd: {  	s0 =	sor.u32 s3, s0;
	s1 =	sshll.u32 s1, $0x11  }
0xbe: {  	s0 =	sor.u32 s1, s0  }
0xbf: {  	s0 =	sadd.s32 $0x8F2B, s0  }
0xc0: {  	[sflag:s0] =	ssyncadd.remote.s32 $0x1  }
0xc1: {  	_ =	sfence.sel $0xFFFF  }
0xc2: {  	[dreg:$0x0] =	wrdreg $0xFFFFFFFF;
	(pc) =	sbr.abs _section_cstart, $3  }
0xc3: {  	[dreg:$0x1] =	wrdreg $0xFFFFFFFF  }
0xc4: {  	_ =	task.clear_ibuf [dreg:s8], $0x2FFFF;
	_ =	strace $0x9FFFFFFF  }
0xc5: {  	(tm) =	ssettm $0x7FFFFFFF  }
tec
execute0_lowered:
.L_overlay_start_1:
0x0: {  	(tag) =	ssettag $0x1  }
0x1: {  	s0 =	rddreg [dreg:$0x0]  }
0x2: {  	s1 =	rddreg [dreg:$0x1]  }
0x3: {  	s2 =	rddreg [dreg:$0x3]  }
0x4: {  	s3 =	srdreg.scid;
	s4 =	simm.s32 $0x0;
	s28 =	stileid.u32  }
0x5: {  	s17 =	simm.s32 $0x6;
	s18 =	simm.s32 $0x11000;
	s19 =	simm.s32 $0x1000  }
0x6: {  	s20 =	simm.s32 $0x5000;
	s22 =	simm.s32 $0x1;
	s23 =	simm.s32 $0x80  }
0x7: {  	s24 =	simm.s32 $0xD000;
	s26 =	simm.s32 $0x0;
	s11 =	sand.u32 $0x1, s3  }
0x8: {  	[smem:$0x7FF] =	sst s4;
	s7 =	sshll.u32 s28, $0xC;
	s29 =	sshll.u32 s28, $0xF  }
0x9: {  	s15 =	sshll.u32 s28, $0xE;
	s5 =	sshll.u32 s11, $0x4;
	_ =	strace $0x80000047  }
0xa: {  	s6 =	ssub.s32 $0x2, s11;
	s12 =	sshll.u32 s11, $0x10;
	s14 =	sshll.u32 s11, $0x12  }
0xb: {  	s11 =	sadd.s32 $0x186800, s0;
	s25 =	sor.u32 s28, s5;
	s8 =	sshrl.u32 s6, $0x1  }
0xc: {  	s14 =	sor.u32 s15, s14;
	s5 =	sshll.u32 s25, $0x9;
	s13 =	ssub.s32 s6, s8  }
0xd: {  	s6 =	sadd.s32 s29, s2;
	s30 =	sshll.u32 s25, $0xB;
	p0 =	slt.u32 s25, $0xD  }
0xe: {  	s31 =	sor.u32 $0x200000, s14;
	s5 =	sadd.s32 s5, s1;
	s1 =	sadd.s32 s7, s1  }
0xf: {  	s7 =	simm.s32 $0x19;
	s8 =	sadd.s32 s0, s30;
	s9 =	sadd.s32 $0x4000, s6  }
0x10: {  	s13 =	smax.u32 s13, $0x1;
	s5 =	sadd.s32 $0xE00, s5;
	s7 =	simm.s32 @!p0 $0x18  }
0x11: {  	s10 =	sadd.s32 $0x10000, s8;
	s1 =	sadd.s32 s12, s1;
	s14 =	sadd.s32 $0x20000, s8  }
0x12: {  	s15 =	sadd.s32 $0x30000, s8;
	s12 =	sadd.s32 $0x4E00, s1;
	s1 =	sshrl.u32 s31, $0x3  }
0x13: {  	p0 =	sne.s32 s25, $0xD;
	s25 =	simm.s32 $0x5;
	s16 =	sadd.s32 s1, s0  }
.LBB2_1:
0x14: {  	[tilespmem:s4], [sflag:$0x6] =	stream.linear.gather [hbm4b:s5+s4], $0xC80, $0x38;
	[tilespmem:$0x1D000] =	vst v63  }
0x15: {  	_ =	swait.ge [sflag:s17], $0xC80  }
0x16: {  	[sflag:s17] =	ssyncset.done $0x0  }
0x17: {  	[sflag:s17] =	ssyncadd.s32 $0xFFFFF380  }
0x18: {  	s0 =	rddreg [dreg:$0x2]  }
0x19: {  	[tilespmem:s18], [sflag:$0x6] =	stream.linear.gather [hbm4b:s0+s4], $0x4000, $0x38;
	[tilespmem:$0x1D000] =	vst v63  }
0x1a: {  	_ =	swait.ge [sflag:s17], $0x4000  }
0x1b: {  	[sflag:s17] =	ssyncset.done $0x0  }
0x1c: {  	[sflag:s17] =	ssyncadd.s32 $0xFFFFC000  }
0x1d: {  	[spmem:s6] =	stream.linear.scatter [tilespmem:s18], [sflag:$0x6], $0x4000, $0x38;
	[tilespmem:$0x1D000] =	vst v63  }
0x1e: {  	_ =	swait.ge [sflag:s17], $0x4000  }
0x1f: {  	[sflag:s17] =	ssyncset.done $0x0  }
0x20: {  	[sflag:s17] =	ssyncadd.s32 $0xFFFFC000  }
0x21: {  	[spmem:s9] =	stream.linear.scatter [tilespmem:s18], [sflag:$0x6], $0x4000, $0x38;
	[tilespmem:$0x1D000] =	vst v63  }
0x22: {  	_ =	swait.ge [sflag:s17], $0x4000  }
0x23: {  	[sflag:s17] =	ssyncset.done $0x0  }
0x24: {  	[sflag:s17] =	ssyncadd.s32 $0xFFFFC000  }
0x25: {  	[bflag:$0x0] =	sbarrier.arrive $0xFFFF  }
0x26: {  	[tilespmem:s19], [sflag:$0x1] =	stream.linear.gather [hbm4b:s8+s4], $0x4000, $0x38;
	[tilespmem:$0x1D000] =	vst v63  }
0x27: {  	_ = 	snop  }
0x28: {  	[tilespmem:s20], [sflag:$0x2] =	stream.linear.gather [hbm4b:s10+s4], $0x4000, $0x38;
	[tilespmem:$0x1D000] =	vst v63  }
0x29: {  	s1 =	simm.s32 $0x9000  }
0x2a: {  	[tilespmem:s1], [sflag:$0x3] =	stream.linear.gather [hbm4b:s14+s4], $0x4000, $0x38;
	[tilespmem:$0x1D000] =	vst v63  }
0x2b: {  	_ =	swait.ge [sflag:s22], $0x4000  }
0x2c: {  	[sflag:s22] =	ssyncset.done $0x0  }
0x2d: {  	[sflag:s22] =	ssyncadd.s32 $0xFFFFC000  }
0x2e: {  	[spmem:s2] =	stream.indirect.scatter.add.f32 [tilespmem:s19], [sflag:$0x5], $0x80, s4, s23, $0xb8;
	[tilespmem:$0x1D000] =	vst v63  }
0x2f: {  	s3 =	simm.s32 $0x2  }
0x30: {  	[tilespmem:s24], [sflag:$0x4] =	stream.linear.gather [hbm4b:s15+s4], $0x4000, $0x38;
	[tilespmem:$0x1D000] =	vst v63  }
0x31: {  	_ =	swait.ge [sflag:s3], $0x4000  }
0x32: {  	[sflag:s3] =	ssyncset.done $0x0  }
0x33: {  	p1 =	sle.u32 s7, $0x4;
	s1 =	simm.s32 $0x4;
	[sflag:s3] =	ssyncadd.s32 $0xFFFFC000  }
0x34: {  	[spmem:s2] =	stream.indirect.scatter.add.f32 [tilespmem:s20], [sflag:$0x5], $0x80, s23, s23, $0xb8;
	[tilespmem:$0x1D000] =	vst v63  }
0x35: {  	s0 =	sand.u32 @!p1 $0x3, s1;
	_ =	swait.ge [sflag:s25], $0x4000  }
0x36: {  	s29 =	simm.s32 @!p1 $0x0;
	s1 =	sshll.u32 @!p1 s0, $0xE;
	[sflag:s25] =	ssyncset.done $0x0  }
0x37: {  	s0 =	sadd.s32 @!p1 $0x1, s0;
	s1 =	sor.u32 @!p1 $0x1000, s1;
	[sflag:s25] =	ssyncadd.s32 $0xFFFFC000  }
0x38: {  	[tilespmem:s1], [sflag:s0] =	stream.linear.gather @!p1 [hbm4b:s16+s29], $0x4000, $0x38;
	[tilespmem:$0x1D000] =	vst v63  }
0x39: {  	p1 =	sne.s32 s7, $0x3  }
.Ltmp0:
0x3a: {  	_ = 	snop;
	(pc) =	sbr.rel @!p1 .LBB2_3-.Ltmp0, $4  }
0x3b: {  	s30 =	sand.u32 $0x3, s3  }
0x3c: {  	s28 =	simm.s32 $0x100;
	s31 =	simm.s32 $0x100;
	s0 =	sadd.s32 $0x1, s30  }
0x3d: {  	s21 =	sshll.u32 s30, $0xE;
	s29 =	simm.s32 $0x3;
	_ =	swait.ge [sflag:s0], $0x4000  }
0x3e: {  	s1 =	sor.u32 $0x1000, s21;
	s30 =	sadd.s32 $0x10000, s16;
	[sflag:s0] =	ssyncset.done $0x0  }
.LBB2_2:
0x3f: {  	[sflag:s0] =	ssyncadd.s32 $0xFFFFC000  }
0x40: {  	s31 =	sadd.s32 $0x80, s31;
	s0 =	smov.u32 s29;
	s29 =	sadd.s32 $0x1, s29  }
0x41: {  	[spmem:s2] =	stream.indirect.scatter.add.f32 [tilespmem:s1], [sflag:$0x5], $0x80, s28, s23, $0xb8;
	[tilespmem:$0x1D000] =	vst v63  }
0x42: {  	s1 =	sadd.s32 $0x2, s0;
	p1 =	sne.s32 s7, s29;
	s28 =	smov.u32 s31  }
0x43: {  	s3 =	sand.u32 $0x3, s0;
	p2 =	sge.u32 s1, s7  }
0x44: {  	s0 =	sand.u32 @!p2 $0x3, s1;
	s21 =	simm.s32 @!p2 $0x0;
	_ =	swait.ge [sflag:s25], $0x4000  }
0x45: {  	s1 =	sshll.u32 @!p2 s0, $0xE;
	s0 =	sadd.s32 @!p2 $0x1, s0;
	[sflag:s25] =	ssyncset.done $0x0  }
.Ltmp1:
0x46: {  	s1 =	sor.u32 @!p2 $0x1000, s1;
	[sflag:s25] =	ssyncadd.s32 $0xFFFFC000;
	(pc) =	sbr.rel @p1 .LBB2_2-.Ltmp1, $4  }
0x47: {  	[tilespmem:s1], [sflag:s0] =	stream.linear.gather @!p2 [hbm4b:s30+s21], $0x4000, $0x38;
	[tilespmem:$0x1D000] =	vst v63  }
0x48: {  	s0 =	sadd.s32 $0x1, s3;
	s1 =	sshll.u32 s3, $0xE  }
0x49: {  	_ =	swait.ge [sflag:s0], $0x4000  }
0x4a: {  	s30 =	sadd.s32 $0x10000, s30;
	s1 =	sor.u32 $0x1000, s1;
	[sflag:s0] =	ssyncset.done $0x0  }
.LBB2_3:
0x4b: {  	[sflag:s0] =	ssyncadd.s32 $0xFFFFC000  }
0x4c: {  	[spmem:s2] =	stream.indirect.scatter.add.f32 [tilespmem:s1], [sflag:$0x5], $0x80, s28, s23, $0xb8;
	[tilespmem:$0x1D000] =	vst v63  }
0x4d: {  	_ =	swait.ge [sflag:s25], $0x4000  }
0x4e: {  	[sflag:s25] =	ssyncset.done $0x0  }
0x4f: {  	[sflag:s25] =	ssyncadd.s32 $0xFFFFC000  }
0x50: {  	_ =	swait.ge [sflag:s25], $0x4000  }
0x51: {  	[sflag:s25] =	ssyncset.done $0x0  }
0x52: {  	s0 =	simm.s32 @!p0 $0x0;
	s1 =	simm.s32 @!p0 $0x11000;
	[sflag:s25] =	ssyncadd.s32 $0xFFFFC000  }
0x53: {  	[tilespmem:s1], [sflag:$0x6] =	stream.linear.gather @!p0 [hbm4b:s11+s0], $0x1000, $0x38;
	[tilespmem:$0x1D000] =	vst v63  }
0x54: {  	s0 =	simm.s32 @!p0 $0x6  }
0x55: {  	_ =	swait.ge @!p0 [sflag:s0], $0x1000  }
0x56: {  	[sflag:s0] =	ssyncset.done @!p0 $0x0  }
0x57: {  	s3 =	simm.s32 @!p0 $0x80;
	s21 =	simm.s32 @!p0 $0xC00;
	[sflag:s0] =	ssyncadd.s32 @!p0 $0xFFFFF000  }
0x58: {  	[spmem:s2] =	stream.indirect.scatter.add.f32 @!p0 [tilespmem:s1], [sflag:$0x6], $0x80, s21, s3, $0xb8;
	[tilespmem:$0x1D000] =	vst v63  }
0x59: {  	s30 =	stileid.u32;
	_ =	swait.ge @!p0 [sflag:s0], $0x4000  }
0x5a: {  	s31 =	sshrl.u32 s6, $0x3;
	s26 =	sadd.s32 $0x1, s26;
	[sflag:s0] =	ssyncset.done @!p0 $0x0  }
0x5b: {  	p1 =	sne.s32 s26, s13;
	[sflag:s0] =	ssyncadd.s32 @!p0 $0xFFFFC000;
	s0 =	sshll.u32 s30, $0x6  }
.Ltmp2:
0x5c: {  	[bflag:$0x0] =	sbarrier.arrive $0xFFFF;
	s0 =	sor.u32 $0x1C06, s0;
	(pc) =	sbr.rel @p1 .LBB2_1-.Ltmp2, $4  }
0x5d: {  	[hbm:s12], [sflag:s0] =	dma.local [spmem:s31], $0x1000  }
0x5e: {  	_ =	swait.ge [sflag:s17], $0x1000  }
0x5f: {  	[sflag:s17] =	ssyncset.done $0x0  }
0x60: {  	[sflag:s17] =	ssyncadd.s32 $0xFFFFF000  }
0x61: {  	_ =	sfence.sel $0x180000  }
0x62: {  	[bflag:$0x0] =	sbarrier.arrive $0xFFFF  }
0x63: {  	_ =	strace $0x90000047  }
0x64: {  	s0 =	stileid.u32;
	[bflag:$0x2] =	sbarrier.arrive $0xFFFF  }
0x65: {  	p0 =	sne.s32 s0, $0x0;
	s0 =	rddreg [dreg:$0x4]  }
0x66: {  	s0 =	sadd.s32 @!p0 $0x100000, s0  }
0x67: {  	[sflag:s0] =	ssyncadd.tile.s32 @!p0 $0x1;
	_ =	shalt  }
.Lfunc_end2:
_tile_overlayer_lowered:
.L_overlay_start_2:
0x68: {  	(tag) =	ssettag $0x2  }
0x69: {  	s0 =	rddreg [dreg:$0x0];
	s2 =	stileid.u32  }
0x6a: {  	s1 =	rddreg [dreg:$0x1];
	p0 =	sne.s32 s2, $0x0  }
0x6b: {  	s3 =	rddreg [dreg:$0x2];
	[bflag:$0x3] =	sbarrier.arrive $0xFFFF;
	s2 =	simm.s32 @!p0 $0x1C06  }
0x6c: {  	[timem:s3], [sflag:s2] =	dma.local @!p0 [hbm:s0], s1  }
0x6d: {  	s0 =	simm.s32 @!p0 $0x6  }
0x6e: {  	_ =	swait.ge @!p0 [sflag:s0], s1  }
0x6f: {  	s1 =	ssub.s32 @!p0 $0x0, s1;
	[sflag:s0] =	ssyncset.done @!p0 $0x0  }
0x70: {  	[sflag:s0] =	ssyncadd.s32 @!p0 s1  }
0x71: {  	[bflag:$0x3] =	sbarrier.arrive $0xFFFF  }
0x72: {  	_ =	shalt  }

</sc_bundles>
